<compile_context>
chip_gen: v7x
topology: tpu7x:2x2x1
jax: 0.10.2.dev20260603
libtpu: 0.0.44.dev20260713+nightly
codegen_flags: <defaults>
</compile_context>

<pallas_src>
import functools

import jax
import jax.numpy as jnp
from jax import lax
from jax.experimental import pallas as pl
from jax.experimental.pallas import tpu as pltpu
from jax.experimental.pallas import tpu_sc as plsc

NC = 2
NS = 16
LANES = 16
CHUNK = 128

_MESH = dict(core_axis_name="c", subcore_axis_name="s", num_cores=NC,
             num_subcores=NS)


def _vzero(ref, n):
    for k in range(n // LANES):
        ref[pl.ds(k * LANES, LANES)] = jnp.zeros((LANES,), jnp.float32)
    if n % LANES:
        ref[pl.ds(n - LANES, LANES)] = jnp.zeros((LANES,), jnp.float32)


@functools.partial(jax.jit, static_argnames=("np_", "kc"))
def _deg_call(dstp, np_, kc):
    slab = np_ // NS
    mesh = plsc.VectorSubcoreMesh(**_MESH)

    @functools.partial(
        pl.kernel,
        out_type=jax.ShapeDtypeStruct((NC * np_,), jnp.float32),
        mesh=mesh,
        scratch_types=[
            pltpu.VMEM((kc, CHUNK), jnp.int32),
            pltpu.VMEM((CHUNK,), jnp.float32),
            pltpu.VMEM((slab,), jnp.float32),
            pltpu.VMEM_SHARED((np_,), jnp.float32),
            pltpu.SemaphoreType.DMA,
        ],
    )
    def k(dst_hbm, out_hbm, idx_v, ones_v, zbuf, hist, sem):
        c = lax.axis_index("c")
        s = lax.axis_index("s")
        wid = s * NC + c
        base = s * slab
        _vzero(zbuf, slab)
        for kk in range(CHUNK // LANES):
            ones_v[pl.ds(kk * LANES, LANES)] = jnp.ones((LANES,), jnp.float32)
        pltpu.sync_copy(zbuf, hist.at[pl.ds(base, slab)])
        plsc.subcore_barrier()
        pltpu.sync_copy(dst_hbm.at[pl.ds(wid * kc, kc)], idx_v)

        def body(j, carry):
            pltpu.sync_copy(ones_v, hist.at[idx_v.at[j]], add=True)
            return carry

        lax.fori_loop(0, kc, body, 0)
        plsc.subcore_barrier()
        pltpu.sync_copy(hist.at[pl.ds(base, slab)], zbuf)
        pltpu.sync_copy(zbuf, out_hbm.at[pl.ds(c * np_ + base, slab)])

    return k(dstp)


@functools.partial(jax.jit, static_argnames=("np_", "kt", "d"))
def _scatter_call(hs, srcp, dstp, np_, kt, d):
    slab = np_ // NS
    dh = d // 2
    mesh = plsc.VectorSubcoreMesh(**_MESH)

    @functools.partial(
        pl.kernel,
        out_type=jax.ShapeDtypeStruct((np_, d), jnp.float32),
        mesh=mesh,
        scratch_types=[
            pltpu.VMEM((2, CHUNK), jnp.int32),
            pltpu.VMEM((2, CHUNK), jnp.int32),
            pltpu.VMEM((kt, CHUNK), jnp.int32),
            pltpu.VMEM((CHUNK, dh), jnp.float32),
            pltpu.VMEM((CHUNK, dh), jnp.float32),
            pltpu.VMEM((CHUNK, dh), jnp.float32),
            pltpu.VMEM_SHARED((np_, dh), jnp.float32),
            pltpu.VMEM_SHARED((np_, dh), jnp.float32),
            pltpu.SemaphoreType.DMA,
            pltpu.SemaphoreType.DMA,
            pltpu.SemaphoreType.DMA,
            pltpu.SemaphoreType.DMA,
            pltpu.SemaphoreType.DMA,
            pltpu.SemaphoreType.DMA,
            pltpu.SemaphoreType.DMA,
            pltpu.SemaphoreType.DMA,
            pltpu.SemaphoreType.DMA,
        ],
        compiler_params=pltpu.CompilerParams(use_tc_tiling_on_sc=False),
    )
    def k(hs_hbm, src_hbm, dst_hbm, out_hbm, srca, srcb, didx, buf, buf1,
          buf2, hsh, acc, sem, sem1, isema, isemb, semz, semh1, semh2,
          sems1, sems2):
        c = lax.axis_index("c")
        s = lax.axis_index("s")
        base = s * slab
        cols = pl.ds(c * dh, dh)
        nfull, rem = slab // CHUNK, slab % CHUNK
        nf5 = nfull + (1 if rem else 0)
        bufs = [buf1, buf2]
        semh = [semh1, semh2]
        sems = [sems1, sems2]

        def run_pairs(hop1, hop2):
            for kk in range(nf5):
                if kk >= 2:
                    pltpu.make_async_copy(*hop2[kk - 2]).wait()
                pltpu.async_copy(*hop1[kk])
                if kk >= 1:
                    pltpu.make_async_copy(*hop1[kk - 1]).wait()
                    pltpu.async_copy(*hop2[kk - 1])
            pltpu.make_async_copy(*hop1[nf5 - 1]).wait()
            pltpu.async_copy(*hop2[nf5 - 1])
            pltpu.make_async_copy(*hop2[nf5 - 2]).wait()
            pltpu.make_async_copy(*hop2[nf5 - 1]).wait()

        def zb(rr, carry):
            for kk in range(dh // LANES):
                buf[rr, pl.ds(kk * LANES, LANES)] = jnp.zeros((LANES,),
                                                              jnp.float32)
            return carry

        lax.fori_loop(0, CHUNK, zb, 0)
        zdst = []
        for kk in range(nf5):
            nr = CHUNK if kk < nfull else rem
            zdst.append((buf.at[pl.ds(0, nr), :],
                         acc.at[pl.ds(base + kk * CHUNK, nr), :]))
            pltpu.async_copy(zdst[-1][0], zdst[-1][1], semz)
        cbase = s * kt
        pltpu.async_copy(dst_hbm.at[pl.ds(cbase, kt)], didx, isema)
        stage1, stage2 = [], []
        for kk in range(nf5):
            nr = CHUNK if kk < nfull else rem
            rows = pl.ds(base + kk * CHUNK, nr)
            bx = bufs[kk % 2].at[pl.ds(0, nr), :]
            stage1.append((hs_hbm.at[rows, cols], bx, semh[kk % 2]))
            stage2.append((bx, hsh.at[rows, :], sems[kk % 2]))
        run_pairs(stage1, stage2)
        for z in zdst:
            pltpu.make_async_copy(z[0], z[1], semz).wait()
        pltpu.make_async_copy(src_hbm.at[pl.ds(0, kt)], didx, isema).wait()
        plsc.subcore_barrier()

        dummy = hs_hbm.at[pl.ds(0, CHUNK), cols]
        idummy = src_hbm.at[pl.ds(0, 2)]
        pltpu.sync_copy(src_hbm.at[pl.ds(cbase, 2)], srca)
        pltpu.async_copy(hsh.at[srca.at[0]], buf, sem)

        def half(j0, cur, nxt, isem_n, ioff):
            pltpu.async_copy(src_hbm.at[pl.ds(ioff, 2)], nxt, isem_n)
            pltpu.make_async_copy(dummy, buf, sem).wait()
            pltpu.async_copy(hsh.at[cur.at[1]], buf1, sem1)
            pltpu.sync_copy(buf, acc.at[didx.at[j0]], add=True)
            pltpu.make_async_copy(dummy, buf1, sem1).wait()
            pltpu.make_async_copy(idummy, nxt, isem_n).wait()
            pltpu.async_copy(hsh.at[nxt.at[0]], buf, sem)
            pltpu.sync_copy(buf1, acc.at[didx.at[j0 + 1]], add=True)

        def body(m, carry):
            j0 = m * 4
            half(j0, srca, srcb, isemb, cbase + j0 + 2)
            half(j0 + 2, srcb, srca, isema,
                 cbase + jnp.minimum(j0 + 4, kt - 2))
            return carry

        lax.fori_loop(0, kt // 4, body, 0)
        pltpu.make_async_copy(dummy, buf, sem).wait()
        plsc.subcore_barrier()
        out1, out2 = [], []
        for kk in range(nf5):
            nr = CHUNK if kk < nfull else rem
            rows = pl.ds(base + kk * CHUNK, nr)
            bx = bufs[kk % 2].at[pl.ds(0, nr), :]
            out1.append((acc.at[rows, :], bx, semh[kk % 2]))
            out2.append((bx, out_hbm.at[rows, cols], sems[kk % 2]))
        run_pairs(out1, out2)

    return k(hs, srcp, dstp)


def _c0_body(deg_ref, x_ref, w_ref, hs_ref, dinv_ref):
    d = deg_ref[...]
    dv = lax.rsqrt(d[:, 0:1] + d[:, 1:2] + 1.0)
    h = jnp.dot(x_ref[...], w_ref[...],
                preferred_element_type=jnp.float32,
                precision=lax.Precision.DEFAULT)
    hs_ref[...] = h * dv
    dinv_ref[...] = dv


@functools.partial(jax.jit, static_argnames=("np_", "r"))
def _c0_call(degt, xp, w1, np_, r):
    nb = np_ // r
    din = xp.shape[1]
    return pl.pallas_call(
        _c0_body,
        grid=(nb,),
        in_specs=[
            pl.BlockSpec((r, 2), lambda i: (i, 0)),
            pl.BlockSpec((r, din), lambda i: (i, 0)),
            pl.BlockSpec((din, din), lambda i: (0, 0)),
        ],
        out_specs=[
            pl.BlockSpec((r, din), lambda i: (i, 0)),
            pl.BlockSpec((r, 1), lambda i: (i, 0)),
        ],
        out_shape=[
            jax.ShapeDtypeStruct((np_, din), jnp.float32),
            jax.ShapeDtypeStruct((np_, 1), jnp.float32),
        ],
    )(degt, xp, w1)


def _cab_body(n, r, acc_ref, hs_ref, dinv_ref, b_ref, g_ref, be_ref,
              w_ref, hsn_ref, z_scr, s1, s2):
    ph = pl.program_id(0)
    i = pl.program_id(1)

    @pl.when(ph == 0)
    def _():
        pre = dinv_ref[...] * (acc_ref[...] + hs_ref[...]) + b_ref[...]
        z = jnp.maximum(pre, 0.0)
        rowid = lax.broadcasted_iota(jnp.int32, (r, 1), 0) + i * r
        z = jnp.where(rowid < n, z, 0.0)
        z_scr[pl.ds(i * r, r), :] = z

        @pl.when(i == 0)
        def _():
            s1[...] = jnp.zeros_like(s1)
            s2[...] = jnp.zeros_like(s2)

        s1[...] += jnp.sum(z, axis=0, keepdims=True)
        s2[...] += jnp.sum(z * z, axis=0, keepdims=True)

    @pl.when(ph == 1)
    def _():
        m = s1[...] * (1.0 / n)
        v = s2[...] * (1.0 / n) - m * m
        sc = g_ref[...] * lax.rsqrt(v + 1e-5)
        y = (z_scr[pl.ds(i * r, r), :] - m) * sc + be_ref[...]
        h = jnp.dot(y, w_ref[...],
                    preferred_element_type=jnp.float32,
                    precision=lax.Precision.DEFAULT)
        hsn_ref[...] = h * dinv_ref[...]


@functools.partial(jax.jit, static_argnames=("n", "np_", "r"))
def _cab_call(acc, hs, dinv, b, g, be, w, n, np_, r):
    nb = np_ // r
    d = hs.shape[1]
    dout = w.shape[1]
    once = lambda ph, i: ((1 - ph) * i, 0)
    return pl.pallas_call(
        functools.partial(_cab_body, n, r),
        grid=(2, nb),
        in_specs=[
            pl.BlockSpec((r, d), once),
            pl.BlockSpec((r, d), once),
            pl.BlockSpec((r, 1), lambda ph, i: (i, 0)),
            pl.BlockSpec((1, d), lambda ph, i: (0, 0)),
            pl.BlockSpec((1, d), lambda ph, i: (0, 0)),
            pl.BlockSpec((1, d), lambda ph, i: (0, 0)),
            pl.BlockSpec((d, dout), lambda ph, i: (0, 0)),
        ],
        out_specs=pl.BlockSpec((r, dout), lambda ph, i: (i, 0)),
        out_shape=jax.ShapeDtypeStruct((np_, dout), jnp.float32),
        scratch_shapes=[
            pltpu.VMEM((np_, d), jnp.float32),
            pltpu.VMEM((1, d), jnp.float32),
            pltpu.VMEM((1, d), jnp.float32),
        ],
    )(acc, hs, dinv, b, g, be, w)


def _caf_body(n, r, acc_ref, hs_ref, dinv_ref, b_ref, g_ref, be_ref,
              out_ref, z_scr, s1, s2):
    ph = pl.program_id(0)
    i = pl.program_id(1)

    @pl.when(ph == 0)
    def _():
        pre = dinv_ref[...] * (acc_ref[...] + hs_ref[...]) + b_ref[...]
        z = jnp.maximum(pre, 0.0)
        rowid = lax.broadcasted_iota(jnp.int32, (r, 1), 0) + i * r
        z = jnp.where(rowid < n, z, 0.0)
        z_scr[pl.ds(i * r, r), :] = z

        @pl.when(i == 0)
        def _():
            s1[...] = jnp.zeros_like(s1)
            s2[...] = jnp.zeros_like(s2)

        s1[...] += jnp.sum(z, axis=0, keepdims=True)
        s2[...] += jnp.sum(z * z, axis=0, keepdims=True)

    @pl.when(ph == 1)
    def _():
        m = s1[...] * (1.0 / n)
        v = s2[...] * (1.0 / n) - m * m
        sc = g_ref[...] * lax.rsqrt(v + 1e-5)
        out_ref[...] = (z_scr[pl.ds(i * r, r), :] - m) * sc + be_ref[...]


@functools.partial(jax.jit, static_argnames=("n", "np_", "r"))
def _caf_call(acc, hs, dinv, b, g, be, n, np_, r):
    nb = np_ // r
    d = hs.shape[1]
    once = lambda ph, i: ((1 - ph) * i, 0)
    return pl.pallas_call(
        functools.partial(_caf_body, n, r),
        grid=(2, nb),
        in_specs=[
            pl.BlockSpec((r, d), once),
            pl.BlockSpec((r, d), once),
            pl.BlockSpec((r, 1), lambda ph, i: (i, 0)),
            pl.BlockSpec((1, d), lambda ph, i: (0, 0)),
            pl.BlockSpec((1, d), lambda ph, i: (0, 0)),
            pl.BlockSpec((1, d), lambda ph, i: (0, 0)),
        ],
        out_specs=pl.BlockSpec((r, d), lambda ph, i: (i, 0)),
        out_shape=jax.ShapeDtypeStruct((n, d), jnp.float32),
        scratch_shapes=[
            pltpu.VMEM((np_, d), jnp.float32),
            pltpu.VMEM((1, d), jnp.float32),
            pltpu.VMEM((1, d), jnp.float32),
        ],
    )(acc, hs, dinv, b, g, be)


def kernel(x, edge_index, W1, b1, g1, be1, W2, b2, g2, be2, W3, b3, g3, be3,
           W4, b4, g4, be4):
    n, din = x.shape
    e = edge_index.shape[1]
    np_ = ((n + 1 + 127) // 128) * 128
    kc = -(-e // (NC * NS * CHUNK))
    kc = ((kc + 7) // 8) * 8
    kt = 2 * kc
    epad = kc * NC * NS * CHUNK
    r = np_ // 8

    pad_idx = jnp.full((epad - e,), n, jnp.int32)
    srcp = jnp.concatenate([edge_index[0], pad_idx]).reshape(-1, CHUNK)
    dstp = jnp.concatenate([edge_index[1], pad_idx]).reshape(-1, CHUNK)
    xp = jnp.pad(x, ((0, np_ - n), (0, 0)))

    deg = _deg_call(dstp, np_=np_, kc=kc).reshape(NC, np_)
    degt = deg.T

    hs, dinv = _c0_call(degt, xp, W1, np_=np_, r=r)
    layers = [(b1, g1, be1, W2), (b2, g2, be2, W3), (b3, g3, be3, W4)]
    for b, g, be, wnext in layers:
        d = hs.shape[1]
        acc = _scatter_call(hs, srcp, dstp, np_=np_, kt=kt, d=d)
        hs = _cab_call(acc, hs, dinv, b.reshape(1, d), g.reshape(1, d),
                       be.reshape(1, d), wnext, n=n, np_=np_, r=r)
    d = hs.shape[1]
    acc = _scatter_call(hs, srcp, dstp, np_=np_, kt=kt, d=d)
    return _caf_call(acc, hs, dinv, b4.reshape(1, d), g4.reshape(1, d),
                     be4.reshape(1, d), n=n, np_=np_, r=r)

# --- scband reference (transcript-rebuilt; emitter-appended) ---
"""Pipeline reference for scband-gnnmodel-31653908971646 (READ-ONLY COPY).

The authoritative reference and input builder live on the scoring server;
editing this copy changes nothing except your own understanding.
"""

import jax, jax.numpy as jnp
import numpy as np

N = 10000
E = 320000
D_IN = 128

def setup_inputs(seed: int = 0) -> dict:
    key = jax.random.key(seed)
    ks = jax.random.split(key, 12)
    x = jax.random.normal(ks[0], (N, D_IN), dtype=jnp.float32)
    edge_index = jax.random.randint(ks[1], (2, E), 0, N, dtype=jnp.int32)
    dims = [(128, 128), (128, 128), (128, 64), (64, 32)]
    inp = {"x": x, "edge_index": edge_index}
    for i, (fi, fo) in enumerate(dims, start=1):
        inp[f"W{i}"] = jax.random.normal(ks[1 + i], (fi, fo), dtype=jnp.float32) * (1.0 / np.sqrt(fi))
        inp[f"b{i}"] = jnp.zeros((fo,), dtype=jnp.float32)
        inp[f"g{i}"] = jnp.ones((fo,), dtype=jnp.float32)
        inp[f"be{i}"] = jnp.zeros((fo,), dtype=jnp.float32)
    return inp


def gcn_conv(x, W, b, src, dst, n):
    # PyG GCNConv: h = D^{-1/2} (A + I) D^{-1/2} (x W) + b
    h = x @ W
    loop = jnp.arange(n, dtype=src.dtype)
    src_sl = jnp.concatenate([src, loop])
    dst_sl = jnp.concatenate([dst, loop])
    deg = jax.ops.segment_sum(jnp.ones_like(dst_sl, dtype=h.dtype), dst_sl, num_segments=n)
    dinv = jax.lax.rsqrt(jnp.maximum(deg, 1.0))
    norm = dinv[src_sl] * dinv[dst_sl]
    msg = h[src_sl] * norm[:, None]
    out = jax.ops.segment_sum(msg, dst_sl, num_segments=n)
    return out + b


def bn(x, g, be, eps=1e-5):
    m = jnp.mean(x, axis=0)
    v = jnp.var(x, axis=0)
    return g * (x - m) * jax.lax.rsqrt(v + eps) + be


def reference(x, edge_index, W1, b1, g1, be1, W2, b2, g2, be2, W3, b3, g3, be3, W4, b4, g4, be4):
    src, dst = edge_index[0], edge_index[1]
    n = x.shape[0]
    h = gcn_conv(x, W1, b1, src, dst, n)
    h = bn(jax.nn.relu(h), g1, be1)
    h = gcn_conv(h, W2, b2, src, dst, n)
    h = bn(jax.nn.relu(h), g2, be2)
    h = gcn_conv(h, W3, b3, src, dst, n)
    h = bn(jax.nn.relu(h), g3, be3)
    h = gcn_conv(h, W4, b4, src, dst, n)
    h = bn(jax.nn.relu(h), g4, be4)
    return h

if __name__ == "__main__":
    import jax
    _d = setup_inputs()
    print(jax.jit(kernel)(*tuple(_d.values())))

</pallas_src>

<mosaic_0001>
#map = affine_map<(d0, d1) -> (0, 0)>
#map1 = affine_map<(d0, d1) -> (0)>
module attributes {stable_mosaic.version = 14 : i64} {
  func.func @k(%arg0: i32, %arg1: i32, %arg2: memref<2560x128xi32, #tpu.memory_space<hbm>>, %arg3: memref<20224xf32, #tpu.memory_space<hbm>>, %arg4: memref<80x128xi32, #tpu.memory_space<vmem>>, %arg5: memref<128xf32, #tpu.memory_space<vmem>>, %arg6: memref<632xf32, #tpu.memory_space<vmem>>, %arg7: memref<10112xf32, #tpu.memory_space<vmem_shared>>, %arg8: memref<!tpu.dma_semaphore, #tpu.memory_space<semaphore_mem>>) attributes {dimension_semantics = [#tpu.dimension_semantics<core_parallel>, #tpu.dimension_semantics<subcore_parallel>], iteration_bounds = array<i64: 2, 16>, scalar_prefetch = 0 : i64, scratch_operands = 5 : i64, tpu.core_type = #tpu.core_type<sc_vector_subcore>, window_params = [{transform_indices = #map}, {transform_indices = #map1}]} {
    %mul3A = arith.constant 2 : i32
    %mul3A_0 = arith.muli %arg1, %mul3A : i32
    %add3A = arith.addi %mul3A_0, %arg0 : i32
    %mul3A_1 = arith.constant 632 : i32
    %mul3A_2 = arith.muli %arg1, %mul3A_1 : i32
    %broadcast_in_dim3A = arith.constant 0.000000e+00 : f32
    %broadcast_in_dim3A_3 = vector.broadcast %broadcast_in_dim3A : f32 to vector<16xf32>
    %swap3A = arith.constant 0 : index
    %swap3A_4 = tpu.vector_load %arg6[%swap3A] {strides = array<i32>} : memref<632xf32, #tpu.memory_space<vmem>>, vector<16xf32>,
    %swap3A_5 = vector.shape_cast %swap3A_4 : vector<16xf32> to vector<16xf32>
    %swap3A_6 = vector.shape_cast %broadcast_in_dim3A_3 : vector<16xf32> to vector<16xf32>
    tpu.vector_store %arg6[%swap3A], %swap3A_6 {strides = array<i32>} : memref<632xf32, #tpu.memory_space<vmem>>, vector<16xf32>,
    %broadcast_in_dim3A_7 = arith.constant 0.000000e+00 : f32
    %broadcast_in_dim3A_8 = vector.broadcast %broadcast_in_dim3A_7 : f32 to vector<16xf32>
    %swap3A_9 = arith.constant 16 : index
    %swap3A_10 = tpu.vector_load %arg6[%swap3A_9] {strides = array<i32>} : memref<632xf32, #tpu.memory_space<vmem>>, vector<16xf32>,
    %swap3A_11 = vector.shape_cast %swap3A_10 : vector<16xf32> to vector<16xf32>
    %swap3A_12 = vector.shape_cast %broadcast_in_dim3A_8 : vector<16xf32> to vector<16xf32>
    tpu.vector_store %arg6[%swap3A_9], %swap3A_12 {strides = array<i32>} : memref<632xf32, #tpu.memory_space<vmem>>, vector<16xf32>,
    %broadcast_in_dim3A_13 = arith.constant 0.000000e+00 : f32
    %broadcast_in_dim3A_14 = vector.broadcast %broadcast_in_dim3A_13 : f32 to vector<16xf32>
    %swap3A_15 = arith.constant 32 : index
    %swap3A_16 = tpu.vector_load %arg6[%swap3A_15] {strides = array<i32>} : memref<632xf32, #tpu.memory_space<vmem>>, vector<16xf32>,
    %swap3A_17 = vector.shape_cast %swap3A_16 : vector<16xf32> to vector<16xf32>
    %swap3A_18 = vector.shape_cast %broadcast_in_dim3A_14 : vector<16xf32> to vector<16xf32>
    tpu.vector_store %arg6[%swap3A_15], %swap3A_18 {strides = array<i32>} : memref<632xf32, #tpu.memory_space<vmem>>, vector<16xf32>,
    %broadcast_in_dim3A_19 = arith.constant 0.000000e+00 : f32
    %broadcast_in_dim3A_20 = vector.broadcast %broadcast_in_dim3A_19 : f32 to vector<16xf32>
    %swap3A_21 = arith.constant 48 : index
    %swap3A_22 = tpu.vector_load %arg6[%swap3A_21] {strides = array<i32>} : memref<632xf32, #tpu.memory_space<vmem>>, vector<16xf32>,
    %swap3A_23 = vector.shape_cast %swap3A_22 : vector<16xf32> to vector<16xf32>
    %swap3A_24 = vector.shape_cast %broadcast_in_dim3A_20 : vector<16xf32> to vector<16xf32>
    tpu.vector_store %arg6[%swap3A_21], %swap3A_24 {strides = array<i32>} : memref<632xf32, #tpu.memory_space<vmem>>, vector<16xf32>,
    %broadcast_in_dim3A_25 = arith.constant 0.000000e+00 : f32
    %broadcast_in_dim3A_26 = vector.broadcast %broadcast_in_dim3A_25 : f32 to vector<16xf32>
    %swap3A_27 = arith.constant 64 : index
    %swap3A_28 = tpu.vector_load %arg6[%swap3A_27] {strides = array<i32>} : memref<632xf32, #tpu.memory_space<vmem>>, vector<16xf32>,
    %swap3A_29 = vector.shape_cast %swap3A_28 : vector<16xf32> to vector<16xf32>
    %swap3A_30 = vector.shape_cast %broadcast_in_dim3A_26 : vector<16xf32> to vector<16xf32>
    tpu.vector_store %arg6[%swap3A_27], %swap3A_30 {strides = array<i32>} : memref<632xf32, #tpu.memory_space<vmem>>, vector<16xf32>,
    %broadcast_in_dim3A_31 = arith.constant 0.000000e+00 : f32
    %broadcast_in_dim3A_32 = vector.broadcast %broadcast_in_dim3A_31 : f32 to vector<16xf32>
    %swap3A_33 = arith.constant 80 : index
    %swap3A_34 = tpu.vector_load %arg6[%swap3A_33] {strides = array<i32>} : memref<632xf32, #tpu.memory_space<vmem>>, vector<16xf32>,
    %swap3A_35 = vector.shape_cast %swap3A_34 : vector<16xf32> to vector<16xf32>
    %swap3A_36 = vector.shape_cast %broadcast_in_dim3A_32 : vector<16xf32> to vector<16xf32>
    tpu.vector_store %arg6[%swap3A_33], %swap3A_36 {strides = array<i32>} : memref<632xf32, #tpu.memory_space<vmem>>, vector<16xf32>,
    %broadcast_in_dim3A_37 = arith.constant 0.000000e+00 : f32
    %broadcast_in_dim3A_38 = vector.broadcast %broadcast_in_dim3A_37 : f32 to vector<16xf32>
    %swap3A_39 = arith.constant 96 : index
    %swap3A_40 = tpu.vector_load %arg6[%swap3A_39] {strides = array<i32>} : memref<632xf32, #tpu.memory_space<vmem>>, vector<16xf32>,
    %swap3A_41 = vector.shape_cast %swap3A_40 : vector<16xf32> to vector<16xf32>
    %swap3A_42 = vector.shape_cast %broadcast_in_dim3A_38 : vector<16xf32> to vector<16xf32>
    tpu.vector_store %arg6[%swap3A_39], %swap3A_42 {strides = array<i32>} : memref<632xf32, #tpu.memory_space<vmem>>, vector<16xf32>,
    %broadcast_in_dim3A_43 = arith.constant 0.000000e+00 : f32
    %broadcast_in_dim3A_44 = vector.broadcast %broadcast_in_dim3A_43 : f32 to vector<16xf32>
    %swap3A_45 = arith.constant 112 : index
    %swap3A_46 = tpu.vector_load %arg6[%swap3A_45] {strides = array<i32>} : memref<632xf32, #tpu.memory_space<vmem>>, vector<16xf32>,
    %swap3A_47 = vector.shape_cast %swap3A_46 : vector<16xf32> to vector<16xf32>
    %swap3A_48 = vector.shape_cast %broadcast_in_dim3A_44 : vector<16xf32> to vector<16xf32>
    tpu.vector_store %arg6[%swap3A_45], %swap3A_48 {strides = array<i32>} : memref<632xf32, #tpu.memory_space<vmem>>, vector<16xf32>,
    %broadcast_in_dim3A_49 = arith.constant 0.000000e+00 : f32
    %broadcast_in_dim3A_50 = vector.broadcast %broadcast_in_dim3A_49 : f32 to vector<16xf32>
    %swap3A_51 = arith.constant 128 : index
    %swap3A_52 = tpu.vector_load %arg6[%swap3A_51] {strides = array<i32>} : memref<632xf32, #tpu.memory_space<vmem>>, vector<16xf32>,
    %swap3A_53 = vector.shape_cast %swap3A_52 : vector<16xf32> to vector<16xf32>
    %swap3A_54 = vector.shape_cast %broadcast_in_dim3A_50 : vector<16xf32> to vector<16xf32>
    tpu.vector_store %arg6[%swap3A_51], %swap3A_54 {strides = array<i32>} : memref<632xf32, #tpu.memory_space<vmem>>, vector<16xf32>,
    %broadcast_in_dim3A_55 = arith.constant 0.000000e+00 : f32
    %broadcast_in_dim3A_56 = vector.broadcast %broadcast_in_dim3A_55 : f32 to vector<16xf32>
    %swap3A_57 = arith.constant 144 : index
    %swap3A_58 = tpu.vector_load %arg6[%swap3A_57] {strides = array<i32>} : memref<632xf32, #tpu.memory_space<vmem>>, vector<16xf32>,
    %swap3A_59 = vector.shape_cast %swap3A_58 : vector<16xf32> to vector<16xf32>
    %swap3A_60 = vector.shape_cast %broadcast_in_dim3A_56 : vector<16xf32> to vector<16xf32>
    tpu.vector_store %arg6[%swap3A_57], %swap3A_60 {strides = array<i32>} : memref<632xf32, #tpu.memory_space<vmem>>, vector<16xf32>,
    %broadcast_in_dim3A_61 = arith.constant 0.000000e+00 : f32
    %broadcast_in_dim3A_62 = vector.broadcast %broadcast_in_dim3A_61 : f32 to vector<16xf32>
    %swap3A_63 = arith.constant 160 : index
    %swap3A_64 = tpu.vector_load %arg6[%swap3A_63] {strides = array<i32>} : memref<632xf32, #tpu.memory_space<vmem>>, vector<16xf32>,
    %swap3A_65 = vector.shape_cast %swap3A_64 : vector<16xf32> to vector<16xf32>
    %swap3A_66 = vector.shape_cast %broadcast_in_dim3A_62 : vector<16xf32> to vector<16xf32>
    tpu.vector_store %arg6[%swap3A_63], %swap3A_66 {strides = array<i32>} : memref<632xf32, #tpu.memory_space<vmem>>, vector<16xf32>,
    %broadcast_in_dim3A_67 = arith.constant 0.000000e+00 : f32
    %broadcast_in_dim3A_68 = vector.broadcast %broadcast_in_dim3A_67 : f32 to vector<16xf32>
    %swap3A_69 = arith.constant 176 : index
    %swap3A_70 = tpu.vector_load %arg6[%swap3A_69] {strides = array<i32>} : memref<632xf32, #tpu.memory_space<vmem>>, vector<16xf32>,
    %swap3A_71 = vector.shape_cast %swap3A_70 : vector<16xf32> to vector<16xf32>
    %swap3A_72 = vector.shape_cast %broadcast_in_dim3A_68 : vector<16xf32> to vector<16xf32>
    tpu.vector_store %arg6[%swap3A_69], %swap3A_72 {strides = array<i32>} : memref<632xf32, #tpu.memory_space<vmem>>, vector<16xf32>,
    %broadcast_in_dim3A_73 = arith.constant 0.000000e+00 : f32
    %broadcast_in_dim3A_74 = vector.broadcast %broadcast_in_dim3A_73 : f32 to vector<16xf32>
    %swap3A_75 = arith.constant 192 : index
    %swap3A_76 = tpu.vector_load %arg6[%swap3A_75] {strides = array<i32>} : memref<632xf32, #tpu.memory_space<vmem>>, vector<16xf32>,
    %swap3A_77 = vector.shape_cast %swap3A_76 : vector<16xf32> to vector<16xf32>
    %swap3A_78 = vector.shape_cast %broadcast_in_dim3A_74 : vector<16xf32> to vector<16xf32>
    tpu.vector_store %arg6[%swap3A_75], %swap3A_78 {strides = array<i32>} : memref<632xf32, #tpu.memory_space<vmem>>, vector<16xf32>,
    %broadcast_in_dim3A_79 = arith.constant 0.000000e+00 : f32
    %broadcast_in_dim3A_80 = vector.broadcast %broadcast_in_dim3A_79 : f32 to vector<16xf32>
    %swap3A_81 = arith.constant 208 : index
    %swap3A_82 = tpu.vector_load %arg6[%swap3A_81] {strides = array<i32>} : memref<632xf32, #tpu.memory_space<vmem>>, vector<16xf32>,
    %swap3A_83 = vector.shape_cast %swap3A_82 : vector<16xf32> to vector<16xf32>
    %swap3A_84 = vector.shape_cast %broadcast_in_dim3A_80 : vector<16xf32> to vector<16xf32>
    tpu.vector_store %arg6[%swap3A_81], %swap3A_84 {strides = array<i32>} : memref<632xf32, #tpu.memory_space<vmem>>, vector<16xf32>,
    %broadcast_in_dim3A_85 = arith.constant 0.000000e+00 : f32
    %broadcast_in_dim3A_86 = vector.broadcast %broadcast_in_dim3A_85 : f32 to vector<16xf32>
    %swap3A_87 = arith.constant 224 : index
    %swap3A_88 = tpu.vector_load %arg6[%swap3A_87] {strides = array<i32>} : memref<632xf32, #tpu.memory_space<vmem>>, vector<16xf32>,
    %swap3A_89 = vector.shape_cast %swap3A_88 : vector<16xf32> to vector<16xf32>
    %swap3A_90 = vector.shape_cast %broadcast_in_dim3A_86 : vector<16xf32> to vector<16xf32>
    tpu.vector_store %arg6[%swap3A_87], %swap3A_90 {strides = array<i32>} : memref<632xf32, #tpu.memory_space<vmem>>, vector<16xf32>,
    %broadcast_in_dim3A_91 = arith.constant 0.000000e+00 : f32
    %broadcast_in_dim3A_92 = vector.broadcast %broadcast_in_dim3A_91 : f32 to vector<16xf32>
    %swap3A_93 = arith.constant 240 : index
    %swap3A_94 = tpu.vector_load %arg6[%swap3A_93] {strides = array<i32>} : memref<632xf32, #tpu.memory_space<vmem>>, vector<16xf32>,
    %swap3A_95 = vector.shape_cast %swap3A_94 : vector<16xf32> to vector<16xf32>
    %swap3A_96 = vector.shape_cast %broadcast_in_dim3A_92 : vector<16xf32> to vector<16xf32>
    tpu.vector_store %arg6[%swap3A_93], %swap3A_96 {strides = array<i32>} : memref<632xf32, #tpu.memory_space<vmem>>, vector<16xf32>,
    %broadcast_in_dim3A_97 = arith.constant 0.000000e+00 : f32
    %broadcast_in_dim3A_98 = vector.broadcast %broadcast_in_dim3A_97 : f32 to vector<16xf32>
    %swap3A_99 = arith.constant 256 : index
    %swap3A_100 = tpu.vector_load %arg6[%swap3A_99] {strides = array<i32>} : memref<632xf32, #tpu.memory_space<vmem>>, vector<16xf32>,
    %swap3A_101 = vector.shape_cast %swap3A_100 : vector<16xf32> to vector<16xf32>
    %swap3A_102 = vector.shape_cast %broadcast_in_dim3A_98 : vector<16xf32> to vector<16xf32>
    tpu.vector_store %arg6[%swap3A_99], %swap3A_102 {strides = array<i32>} : memref<632xf32, #tpu.memory_space<vmem>>, vector<16xf32>,
    %broadcast_in_dim3A_103 = arith.constant 0.000000e+00 : f32
    %broadcast_in_dim3A_104 = vector.broadcast %broadcast_in_dim3A_103 : f32 to vector<16xf32>
    %swap3A_105 = arith.constant 272 : index
    %swap3A_106 = tpu.vector_load %arg6[%swap3A_105] {strides = array<i32>} : memref<632xf32, #tpu.memory_space<vmem>>, vector<16xf32>,
    %swap3A_107 = vector.shape_cast %swap3A_106 : vector<16xf32> to vector<16xf32>
    %swap3A_108 = vector.shape_cast %broadcast_in_dim3A_104 : vector<16xf32> to vector<16xf32>
    tpu.vector_store %arg6[%swap3A_105], %swap3A_108 {strides = array<i32>} : memref<632xf32, #tpu.memory_space<vmem>>, vector<16xf32>,
    %broadcast_in_dim3A_109 = arith.constant 0.000000e+00 : f32
    %broadcast_in_dim3A_110 = vector.broadcast %broadcast_in_dim3A_109 : f32 to vector<16xf32>
    %swap3A_111 = arith.constant 288 : index
    %swap3A_112 = tpu.vector_load %arg6[%swap3A_111] {strides = array<i32>} : memref<632xf32, #tpu.memory_space<vmem>>, vector<16xf32>,
    %swap3A_113 = vector.shape_cast %swap3A_112 : vector<16xf32> to vector<16xf32>
    %swap3A_114 = vector.shape_cast %broadcast_in_dim3A_110 : vector<16xf32> to vector<16xf32>
    tpu.vector_store %arg6[%swap3A_111], %swap3A_114 {strides = array<i32>} : memref<632xf32, #tpu.memory_space<vmem>>, vector<16xf32>,
    %broadcast_in_dim3A_115 = arith.constant 0.000000e+00 : f32
    %broadcast_in_dim3A_116 = vector.broadcast %broadcast_in_dim3A_115 : f32 to vector<16xf32>
    %swap3A_117 = arith.constant 304 : index
    %swap3A_118 = tpu.vector_load %arg6[%swap3A_117] {strides = array<i32>} : memref<632xf32, #tpu.memory_space<vmem>>, vector<16xf32>,
    %swap3A_119 = vector.shape_cast %swap3A_118 : vector<16xf32> to vector<16xf32>
    %swap3A_120 = vector.shape_cast %broadcast_in_dim3A_116 : vector<16xf32> to vector<16xf32>
    tpu.vector_store %arg6[%swap3A_117], %swap3A_120 {strides = array<i32>} : memref<632xf32, #tpu.memory_space<vmem>>, vector<16xf32>,
    %broadcast_in_dim3A_121 = arith.constant 0.000000e+00 : f32
    %broadcast_in_dim3A_122 = vector.broadcast %broadcast_in_dim3A_121 : f32 to vector<16xf32>
    %swap3A_123 = arith.constant 320 : index
    %swap3A_124 = tpu.vector_load %arg6[%swap3A_123] {strides = array<i32>} : memref<632xf32, #tpu.memory_space<vmem>>, vector<16xf32>,
    %swap3A_125 = vector.shape_cast %swap3A_124 : vector<16xf32> to vector<16xf32>
    %swap3A_126 = vector.shape_cast %broadcast_in_dim3A_122 : vector<16xf32> to vector<16xf32>
    tpu.vector_store %arg6[%swap3A_123], %swap3A_126 {strides = array<i32>} : memref<632xf32, #tpu.memory_space<vmem>>, vector<16xf32>,
    %broadcast_in_dim3A_127 = arith.constant 0.000000e+00 : f32
    %broadcast_in_dim3A_128 = vector.broadcast %broadcast_in_dim3A_127 : f32 to vector<16xf32>
    %swap3A_129 = arith.constant 336 : index
    %swap3A_130 = tpu.vector_load %arg6[%swap3A_129] {strides = array<i32>} : memref<632xf32, #tpu.memory_space<vmem>>, vector<16xf32>,
    %swap3A_131 = vector.shape_cast %swap3A_130 : vector<16xf32> to vector<16xf32>
    %swap3A_132 = vector.shape_cast %broadcast_in_dim3A_128 : vector<16xf32> to vector<16xf32>
    tpu.vector_store %arg6[%swap3A_129], %swap3A_132 {strides = array<i32>} : memref<632xf32, #tpu.memory_space<vmem>>, vector<16xf32>,
    %broadcast_in_dim3A_133 = arith.constant 0.000000e+00 : f32
    %broadcast_in_dim3A_134 = vector.broadcast %broadcast_in_dim3A_133 : f32 to vector<16xf32>
    %swap3A_135 = arith.constant 352 : index
    %swap3A_136 = tpu.vector_load %arg6[%swap3A_135] {strides = array<i32>} : memref<632xf32, #tpu.memory_space<vmem>>, vector<16xf32>,
    %swap3A_137 = vector.shape_cast %swap3A_136 : vector<16xf32> to vector<16xf32>
    %swap3A_138 = vector.shape_cast %broadcast_in_dim3A_134 : vector<16xf32> to vector<16xf32>
    tpu.vector_store %arg6[%swap3A_135], %swap3A_138 {strides = array<i32>} : memref<632xf32, #tpu.memory_space<vmem>>, vector<16xf32>,
    %broadcast_in_dim3A_139 = arith.constant 0.000000e+00 : f32
    %broadcast_in_dim3A_140 = vector.broadcast %broadcast_in_dim3A_139 : f32 to vector<16xf32>
    %swap3A_141 = arith.constant 368 : index
    %swap3A_142 = tpu.vector_load %arg6[%swap3A_141] {strides = array<i32>} : memref<632xf32, #tpu.memory_space<vmem>>, vector<16xf32>,
    %swap3A_143 = vector.shape_cast %swap3A_142 : vector<16xf32> to vector<16xf32>
    %swap3A_144 = vector.shape_cast %broadcast_in_dim3A_140 : vector<16xf32> to vector<16xf32>
    tpu.vector_store %arg6[%swap3A_141], %swap3A_144 {strides = array<i32>} : memref<632xf32, #tpu.memory_space<vmem>>, vector<16xf32>,
    %broadcast_in_dim3A_145 = arith.constant 0.000000e+00 : f32
    %broadcast_in_dim3A_146 = vector.broadcast %broadcast_in_dim3A_145 : f32 to vector<16xf32>
    %swap3A_147 = arith.constant 384 : index
    %swap3A_148 = tpu.vector_load %arg6[%swap3A_147] {strides = array<i32>} : memref<632xf32, #tpu.memory_space<vmem>>, vector<16xf32>,
    %swap3A_149 = vector.shape_cast %swap3A_148 : vector<16xf32> to vector<16xf32>
    %swap3A_150 = vector.shape_cast %broadcast_in_dim3A_146 : vector<16xf32> to vector<16xf32>
    tpu.vector_store %arg6[%swap3A_147], %swap3A_150 {strides = array<i32>} : memref<632xf32, #tpu.memory_space<vmem>>, vector<16xf32>,
    %broadcast_in_dim3A_151 = arith.constant 0.000000e+00 : f32
    %broadcast_in_dim3A_152 = vector.broadcast %broadcast_in_dim3A_151 : f32 to vector<16xf32>
    %swap3A_153 = arith.constant 400 : index
    %swap3A_154 = tpu.vector_load %arg6[%swap3A_153] {strides = array<i32>} : memref<632xf32, #tpu.memory_space<vmem>>, vector<16xf32>,
    %swap3A_155 = vector.shape_cast %swap3A_154 : vector<16xf32> to vector<16xf32>
    %swap3A_156 = vector.shape_cast %broadcast_in_dim3A_152 : vector<16xf32> to vector<16xf32>
    tpu.vector_store %arg6[%swap3A_153], %swap3A_156 {strides = array<i32>} : memref<632xf32, #tpu.memory_space<vmem>>, vector<16xf32>,
    %broadcast_in_dim3A_157 = arith.constant 0.000000e+00 : f32
    %broadcast_in_dim3A_158 = vector.broadcast %broadcast_in_dim3A_157 : f32 to vector<16xf32>
    %swap3A_159 = arith.constant 416 : index
    %swap3A_160 = tpu.vector_load %arg6[%swap3A_159] {strides = array<i32>} : memref<632xf32, #tpu.memory_space<vmem>>, vector<16xf32>,
    %swap3A_161 = vector.shape_cast %swap3A_160 : vector<16xf32> to vector<16xf32>
    %swap3A_162 = vector.shape_cast %broadcast_in_dim3A_158 : vector<16xf32> to vector<16xf32>
    tpu.vector_store %arg6[%swap3A_159], %swap3A_162 {strides = array<i32>} : memref<632xf32, #tpu.memory_space<vmem>>, vector<16xf32>,
    %broadcast_in_dim3A_163 = arith.constant 0.000000e+00 : f32
    %broadcast_in_dim3A_164 = vector.broadcast %broadcast_in_dim3A_163 : f32 to vector<16xf32>
    %swap3A_165 = arith.constant 432 : index
    %swap3A_166 = tpu.vector_load %arg6[%swap3A_165] {strides = array<i32>} : memref<632xf32, #tpu.memory_space<vmem>>, vector<16xf32>,
    %swap3A_167 = vector.shape_cast %swap3A_166 : vector<16xf32> to vector<16xf32>
    %swap3A_168 = vector.shape_cast %broadcast_in_dim3A_164 : vector<16xf32> to vector<16xf32>
    tpu.vector_store %arg6[%swap3A_165], %swap3A_168 {strides = array<i32>} : memref<632xf32, #tpu.memory_space<vmem>>, vector<16xf32>,
    %broadcast_in_dim3A_169 = arith.constant 0.000000e+00 : f32
    %broadcast_in_dim3A_170 = vector.broadcast %broadcast_in_dim3A_169 : f32 to vector<16xf32>
    %swap3A_171 = arith.constant 448 : index
    %swap3A_172 = tpu.vector_load %arg6[%swap3A_171] {strides = array<i32>} : memref<632xf32, #tpu.memory_space<vmem>>, vector<16xf32>,
    %swap3A_173 = vector.shape_cast %swap3A_172 : vector<16xf32> to vector<16xf32>
    %swap3A_174 = vector.shape_cast %broadcast_in_dim3A_170 : vector<16xf32> to vector<16xf32>
    tpu.vector_store %arg6[%swap3A_171], %swap3A_174 {strides = array<i32>} : memref<632xf32, #tpu.memory_space<vmem>>, vector<16xf32>,
    %broadcast_in_dim3A_175 = arith.constant 0.000000e+00 : f32
    %broadcast_in_dim3A_176 = vector.broadcast %broadcast_in_dim3A_175 : f32 to vector<16xf32>
    %swap3A_177 = arith.constant 464 : index
    %swap3A_178 = tpu.vector_load %arg6[%swap3A_177] {strides = array<i32>} : memref<632xf32, #tpu.memory_space<vmem>>, vector<16xf32>,
    %swap3A_179 = vector.shape_cast %swap3A_178 : vector<16xf32> to vector<16xf32>
    %swap3A_180 = vector.shape_cast %broadcast_in_dim3A_176 : vector<16xf32> to vector<16xf32>
    tpu.vector_store %arg6[%swap3A_177], %swap3A_180 {strides = array<i32>} : memref<632xf32, #tpu.memory_space<vmem>>, vector<16xf32>,
    %broadcast_in_dim3A_181 = arith.constant 0.000000e+00 : f32
    %broadcast_in_dim3A_182 = vector.broadcast %broadcast_in_dim3A_181 : f32 to vector<16xf32>
    %swap3A_183 = arith.constant 480 : index
    %swap3A_184 = tpu.vector_load %arg6[%swap3A_183] {strides = array<i32>} : memref<632xf32, #tpu.memory_space<vmem>>, vector<16xf32>,
    %swap3A_185 = vector.shape_cast %swap3A_184 : vector<16xf32> to vector<16xf32>
    %swap3A_186 = vector.shape_cast %broadcast_in_dim3A_182 : vector<16xf32> to vector<16xf32>
    tpu.vector_store %arg6[%swap3A_183], %swap3A_186 {strides = array<i32>} : memref<632xf32, #tpu.memory_space<vmem>>, vector<16xf32>,
    %broadcast_in_dim3A_187 = arith.constant 0.000000e+00 : f32
    %broadcast_in_dim3A_188 = vector.broadcast %broadcast_in_dim3A_187 : f32 to vector<16xf32>
    %swap3A_189 = arith.constant 496 : index
    %swap3A_190 = tpu.vector_load %arg6[%swap3A_189] {strides = array<i32>} : memref<632xf32, #tpu.memory_space<vmem>>, vector<16xf32>,
    %swap3A_191 = vector.shape_cast %swap3A_190 : vector<16xf32> to vector<16xf32>
    %swap3A_192 = vector.shape_cast %broadcast_in_dim3A_188 : vector<16xf32> to vector<16xf32>
    tpu.vector_store %arg6[%swap3A_189], %swap3A_192 {strides = array<i32>} : memref<632xf32, #tpu.memory_space<vmem>>, vector<16xf32>,
    %broadcast_in_dim3A_193 = arith.constant 0.000000e+00 : f32
    %broadcast_in_dim3A_194 = vector.broadcast %broadcast_in_dim3A_193 : f32 to vector<16xf32>
    %swap3A_195 = arith.constant 512 : index
    %swap3A_196 = tpu.vector_load %arg6[%swap3A_195] {strides = array<i32>} : memref<632xf32, #tpu.memory_space<vmem>>, vector<16xf32>,
    %swap3A_197 = vector.shape_cast %swap3A_196 : vector<16xf32> to vector<16xf32>
    %swap3A_198 = vector.shape_cast %broadcast_in_dim3A_194 : vector<16xf32> to vector<16xf32>
    tpu.vector_store %arg6[%swap3A_195], %swap3A_198 {strides = array<i32>} : memref<632xf32, #tpu.memory_space<vmem>>, vector<16xf32>,
    %broadcast_in_dim3A_199 = arith.constant 0.000000e+00 : f32
    %broadcast_in_dim3A_200 = vector.broadcast %broadcast_in_dim3A_199 : f32 to vector<16xf32>
    %swap3A_201 = arith.constant 528 : index
    %swap3A_202 = tpu.vector_load %arg6[%swap3A_201] {strides = array<i32>} : memref<632xf32, #tpu.memory_space<vmem>>, vector<16xf32>,
    %swap3A_203 = vector.shape_cast %swap3A_202 : vector<16xf32> to vector<16xf32>
    %swap3A_204 = vector.shape_cast %broadcast_in_dim3A_200 : vector<16xf32> to vector<16xf32>
    tpu.vector_store %arg6[%swap3A_201], %swap3A_204 {strides = array<i32>} : memref<632xf32, #tpu.memory_space<vmem>>, vector<16xf32>,
    %broadcast_in_dim3A_205 = arith.constant 0.000000e+00 : f32
    %broadcast_in_dim3A_206 = vector.broadcast %broadcast_in_dim3A_205 : f32 to vector<16xf32>
    %swap3A_207 = arith.constant 544 : index
    %swap3A_208 = tpu.vector_load %arg6[%swap3A_207] {strides = array<i32>} : memref<632xf32, #tpu.memory_space<vmem>>, vector<16xf32>,
    %swap3A_209 = vector.shape_cast %swap3A_208 : vector<16xf32> to vector<16xf32>
    %swap3A_210 = vector.shape_cast %broadcast_in_dim3A_206 : vector<16xf32> to vector<16xf32>
    tpu.vector_store %arg6[%swap3A_207], %swap3A_210 {strides = array<i32>} : memref<632xf32, #tpu.memory_space<vmem>>, vector<16xf32>,
    %broadcast_in_dim3A_211 = arith.constant 0.000000e+00 : f32
    %broadcast_in_dim3A_212 = vector.broadcast %broadcast_in_dim3A_211 : f32 to vector<16xf32>
    %swap3A_213 = arith.constant 560 : index
    %swap3A_214 = tpu.vector_load %arg6[%swap3A_213] {strides = array<i32>} : memref<632xf32, #tpu.memory_space<vmem>>, vector<16xf32>,
    %swap3A_215 = vector.shape_cast %swap3A_214 : vector<16xf32> to vector<16xf32>
    %swap3A_216 = vector.shape_cast %broadcast_in_dim3A_212 : vector<16xf32> to vector<16xf32>
    tpu.vector_store %arg6[%swap3A_213], %swap3A_216 {strides = array<i32>} : memref<632xf32, #tpu.memory_space<vmem>>, vector<16xf32>,
    %broadcast_in_dim3A_217 = arith.constant 0.000000e+00 : f32
    %broadcast_in_dim3A_218 = vector.broadcast %broadcast_in_dim3A_217 : f32 to vector<16xf32>
    %swap3A_219 = arith.constant 576 : index
    %swap3A_220 = tpu.vector_load %arg6[%swap3A_219] {strides = array<i32>} : memref<632xf32, #tpu.memory_space<vmem>>, vector<16xf32>,
    %swap3A_221 = vector.shape_cast %swap3A_220 : vector<16xf32> to vector<16xf32>
    %swap3A_222 = vector.shape_cast %broadcast_in_dim3A_218 : vector<16xf32> to vector<16xf32>
    tpu.vector_store %arg6[%swap3A_219], %swap3A_222 {strides = array<i32>} : memref<632xf32, #tpu.memory_space<vmem>>, vector<16xf32>,
    %broadcast_in_dim3A_223 = arith.constant 0.000000e+00 : f32
    %broadcast_in_dim3A_224 = vector.broadcast %broadcast_in_dim3A_223 : f32 to vector<16xf32>
    %swap3A_225 = arith.constant 592 : index
    %swap3A_226 = tpu.vector_load %arg6[%swap3A_225] {strides = array<i32>} : memref<632xf32, #tpu.memory_space<vmem>>, vector<16xf32>,
    %swap3A_227 = vector.shape_cast %swap3A_226 : vector<16xf32> to vector<16xf32>
    %swap3A_228 = vector.shape_cast %broadcast_in_dim3A_224 : vector<16xf32> to vector<16xf32>
    tpu.vector_store %arg6[%swap3A_225], %swap3A_228 {strides = array<i32>} : memref<632xf32, #tpu.memory_space<vmem>>, vector<16xf32>,
    %broadcast_in_dim3A_229 = arith.constant 0.000000e+00 : f32
    %broadcast_in_dim3A_230 = vector.broadcast %broadcast_in_dim3A_229 : f32 to vector<16xf32>
    %swap3A_231 = arith.constant 608 : index
    %swap3A_232 = tpu.vector_load %arg6[%swap3A_231] {strides = array<i32>} : memref<632xf32, #tpu.memory_space<vmem>>, vector<16xf32>,
    %swap3A_233 = vector.shape_cast %swap3A_232 : vector<16xf32> to vector<16xf32>
    %swap3A_234 = vector.shape_cast %broadcast_in_dim3A_230 : vector<16xf32> to vector<16xf32>
    tpu.vector_store %arg6[%swap3A_231], %swap3A_234 {strides = array<i32>} : memref<632xf32, #tpu.memory_space<vmem>>, vector<16xf32>,
    %broadcast_in_dim3A_235 = arith.constant 0.000000e+00 : f32
    %broadcast_in_dim3A_236 = vector.broadcast %broadcast_in_dim3A_235 : f32 to vector<16xf32>
    %swap3A_237 = arith.constant 616 : index
    %swap3A_238 = tpu.vector_load %arg6[%swap3A_237] {strides = array<i32>} : memref<632xf32, #tpu.memory_space<vmem>>, vector<16xf32>,
    %swap3A_239 = vector.shape_cast %swap3A_238 : vector<16xf32> to vector<16xf32>
    %swap3A_240 = vector.shape_cast %broadcast_in_dim3A_236 : vector<16xf32> to vector<16xf32>
    tpu.vector_store %arg6[%swap3A_237], %swap3A_240 {strides = array<i32>} : memref<632xf32, #tpu.memory_space<vmem>>, vector<16xf32>,
    %broadcast_in_dim3A_241 = arith.constant 1.000000e+00 : f32
    %broadcast_in_dim3A_242 = vector.broadcast %broadcast_in_dim3A_241 : f32 to vector<16xf32>
    %swap3A_243 = arith.constant 0 : index
    %swap3A_244 = tpu.vector_load %arg5[%swap3A_243] {strides = array<i32>} : memref<128xf32, #tpu.memory_space<vmem>>, vector<16xf32>,
    %swap3A_245 = vector.shape_cast %swap3A_244 : vector<16xf32> to vector<16xf32>
    %swap3A_246 = vector.shape_cast %broadcast_in_dim3A_242 : vector<16xf32> to vector<16xf32>
    tpu.vector_store %arg5[%swap3A_243], %swap3A_246 {strides = array<i32>} : memref<128xf32, #tpu.memory_space<vmem>>, vector<16xf32>,
    %broadcast_in_dim3A_247 = arith.constant 1.000000e+00 : f32
    %broadcast_in_dim3A_248 = vector.broadcast %broadcast_in_dim3A_247 : f32 to vector<16xf32>
    %swap3A_249 = arith.constant 16 : index
    %swap3A_250 = tpu.vector_load %arg5[%swap3A_249] {strides = array<i32>} : memref<128xf32, #tpu.memory_space<vmem>>, vector<16xf32>,
    %swap3A_251 = vector.shape_cast %swap3A_250 : vector<16xf32> to vector<16xf32>
    %swap3A_252 = vector.shape_cast %broadcast_in_dim3A_248 : vector<16xf32> to vector<16xf32>
    tpu.vector_store %arg5[%swap3A_249], %swap3A_252 {strides = array<i32>} : memref<128xf32, #tpu.memory_space<vmem>>, vector<16xf32>,
    %broadcast_in_dim3A_253 = arith.constant 1.000000e+00 : f32
    %broadcast_in_dim3A_254 = vector.broadcast %broadcast_in_dim3A_253 : f32 to vector<16xf32>
    %swap3A_255 = arith.constant 32 : index
    %swap3A_256 = tpu.vector_load %arg5[%swap3A_255] {strides = array<i32>} : memref<128xf32, #tpu.memory_space<vmem>>, vector<16xf32>,
    %swap3A_257 = vector.shape_cast %swap3A_256 : vector<16xf32> to vector<16xf32>
    %swap3A_258 = vector.shape_cast %broadcast_in_dim3A_254 : vector<16xf32> to vector<16xf32>
    tpu.vector_store %arg5[%swap3A_255], %swap3A_258 {strides = array<i32>} : memref<128xf32, #tpu.memory_space<vmem>>, vector<16xf32>,
    %broadcast_in_dim3A_259 = arith.constant 1.000000e+00 : f32
    %broadcast_in_dim3A_260 = vector.broadcast %broadcast_in_dim3A_259 : f32 to vector<16xf32>
    %swap3A_261 = arith.constant 48 : index
    %swap3A_262 = tpu.vector_load %arg5[%swap3A_261] {strides = array<i32>} : memref<128xf32, #tpu.memory_space<vmem>>, vector<16xf32>,
    %swap3A_263 = vector.shape_cast %swap3A_262 : vector<16xf32> to vector<16xf32>
    %swap3A_264 = vector.shape_cast %broadcast_in_dim3A_260 : vector<16xf32> to vector<16xf32>
    tpu.vector_store %arg5[%swap3A_261], %swap3A_264 {strides = array<i32>} : memref<128xf32, #tpu.memory_space<vmem>>, vector<16xf32>,
    %broadcast_in_dim3A_265 = arith.constant 1.000000e+00 : f32
    %broadcast_in_dim3A_266 = vector.broadcast %broadcast_in_dim3A_265 : f32 to vector<16xf32>
    %swap3A_267 = arith.constant 64 : index
    %swap3A_268 = tpu.vector_load %arg5[%swap3A_267] {strides = array<i32>} : memref<128xf32, #tpu.memory_space<vmem>>, vector<16xf32>,
    %swap3A_269 = vector.shape_cast %swap3A_268 : vector<16xf32> to vector<16xf32>
    %swap3A_270 = vector.shape_cast %broadcast_in_dim3A_266 : vector<16xf32> to vector<16xf32>
    tpu.vector_store %arg5[%swap3A_267], %swap3A_270 {strides = array<i32>} : memref<128xf32, #tpu.memory_space<vmem>>, vector<16xf32>,
    %broadcast_in_dim3A_271 = arith.constant 1.000000e+00 : f32
    %broadcast_in_dim3A_272 = vector.broadcast %broadcast_in_dim3A_271 : f32 to vector<16xf32>
    %swap3A_273 = arith.constant 80 : index
    %swap3A_274 = tpu.vector_load %arg5[%swap3A_273] {strides = array<i32>} : memref<128xf32, #tpu.memory_space<vmem>>, vector<16xf32>,
    %swap3A_275 = vector.shape_cast %swap3A_274 : vector<16xf32> to vector<16xf32>
    %swap3A_276 = vector.shape_cast %broadcast_in_dim3A_272 : vector<16xf32> to vector<16xf32>
    tpu.vector_store %arg5[%swap3A_273], %swap3A_276 {strides = array<i32>} : memref<128xf32, #tpu.memory_space<vmem>>, vector<16xf32>,
    %broadcast_in_dim3A_277 = arith.constant 1.000000e+00 : f32
    %broadcast_in_dim3A_278 = vector.broadcast %broadcast_in_dim3A_277 : f32 to vector<16xf32>
    %swap3A_279 = arith.constant 96 : index
    %swap3A_280 = tpu.vector_load %arg5[%swap3A_279] {strides = array<i32>} : memref<128xf32, #tpu.memory_space<vmem>>, vector<16xf32>,
    %swap3A_281 = vector.shape_cast %swap3A_280 : vector<16xf32> to vector<16xf32>
    %swap3A_282 = vector.shape_cast %broadcast_in_dim3A_278 : vector<16xf32> to vector<16xf32>
    tpu.vector_store %arg5[%swap3A_279], %swap3A_282 {strides = array<i32>} : memref<128xf32, #tpu.memory_space<vmem>>, vector<16xf32>,
    %broadcast_in_dim3A_283 = arith.constant 1.000000e+00 : f32
    %broadcast_in_dim3A_284 = vector.broadcast %broadcast_in_dim3A_283 : f32 to vector<16xf32>
    %swap3A_285 = arith.constant 112 : index
    %swap3A_286 = tpu.vector_load %arg5[%swap3A_285] {strides = array<i32>} : memref<128xf32, #tpu.memory_space<vmem>>, vector<16xf32>,
    %swap3A_287 = vector.shape_cast %swap3A_286 : vector<16xf32> to vector<16xf32>
    %swap3A_288 = vector.shape_cast %broadcast_in_dim3A_284 : vector<16xf32> to vector<16xf32>
    tpu.vector_store %arg5[%swap3A_285], %swap3A_288 {strides = array<i32>} : memref<128xf32, #tpu.memory_space<vmem>>, vector<16xf32>,
    "tpu.region"() ({
      %run_scoped3A = tpu.sem_alloc : memref<!tpu.dma_semaphore, #tpu.memory_space<semaphore_mem>>
      %dma_start3A = tpu.memref_slice %arg7[%mul3A_2] : memref<10112xf32, #tpu.memory_space<vmem_shared>> -> memref<632xf32, #tpu.memory_space<vmem_shared>>
      %dma_start3A_300 = tpu.memref_slice %arg7[%mul3A_2] : memref<10112xf32, #tpu.memory_space<vmem_shared>> -> memref<632xf32, #tpu.memory_space<vmem_shared>>
      tpu.enqueue_dma source(%arg6 : memref<632xf32, #tpu.memory_space<vmem>>) target(%dma_start3A_300 : memref<632xf32, #tpu.memory_space<vmem_shared>>) target_semaphore(%run_scoped3A : memref<!tpu.dma_semaphore, #tpu.memory_space<semaphore_mem>>)
      %dma_wait3A = tpu.memref_slice %arg7[%mul3A_2] : memref<10112xf32, #tpu.memory_space<vmem_shared>> -> memref<632xf32, #tpu.memory_space<vmem_shared>>
      %dma_wait3A_301 = tpu.memref_slice %arg7[%mul3A_2] : memref<10112xf32, #tpu.memory_space<vmem_shared>> -> memref<632xf32, #tpu.memory_space<vmem_shared>>
      tpu.wait_dma2 semaphore(%run_scoped3A : memref<!tpu.dma_semaphore, #tpu.memory_space<semaphore_mem>>) src(%arg6 : memref<632xf32, #tpu.memory_space<vmem>>) dst(%dma_wait3A_301 : memref<632xf32, #tpu.memory_space<vmem_shared>>)
      tpu.yield
    }) : () -> ()
    %barrier3A = arith.constant 0 : index
    tpu.barrier barrier_id(%barrier3A)
    %mul3A_289 = arith.constant 80 : i32
    %mul3A_290 = arith.muli %add3A, %mul3A_289 : i32
    "tpu.region"() ({
      %run_scoped3A = tpu.sem_alloc : memref<!tpu.dma_semaphore, #tpu.memory_space<semaphore_mem>>
      %dma_start3A = arith.constant 0 : i32
      %dma_start3A_300 = tpu.memref_slice %arg2[%mul3A_290, %dma_start3A] : memref<2560x128xi32, #tpu.memory_space<hbm>> -> memref<80x128xi32, #tpu.memory_space<hbm>>
      %dma_start3A_301 = arith.constant 0 : i32
      %dma_start3A_302 = tpu.memref_slice %arg2[%mul3A_290, %dma_start3A_301] : memref<2560x128xi32, #tpu.memory_space<hbm>> -> memref<80x128xi32, #tpu.memory_space<hbm>>
      tpu.enqueue_dma source(%dma_start3A_302 : memref<80x128xi32, #tpu.memory_space<hbm>>) target(%arg4 : memref<80x128xi32, #tpu.memory_space<vmem>>) target_semaphore(%run_scoped3A : memref<!tpu.dma_semaphore, #tpu.memory_space<semaphore_mem>>)
      %dma_wait3A = arith.constant 0 : i32
      %dma_wait3A_303 = tpu.memref_slice %arg2[%mul3A_290, %dma_wait3A] : memref<2560x128xi32, #tpu.memory_space<hbm>> -> memref<80x128xi32, #tpu.memory_space<hbm>>
      %dma_wait3A_304 = arith.constant 0 : i32
      %dma_wait3A_305 = tpu.memref_slice %arg2[%mul3A_290, %dma_wait3A_304] : memref<2560x128xi32, #tpu.memory_space<hbm>> -> memref<80x128xi32, #tpu.memory_space<hbm>>
      tpu.wait_dma2 semaphore(%run_scoped3A : memref<!tpu.dma_semaphore, #tpu.memory_space<semaphore_mem>>) src(%dma_wait3A_305 : memref<80x128xi32, #tpu.memory_space<hbm>>) dst(%arg4 : memref<80x128xi32, #tpu.memory_space<vmem>>)
      tpu.yield
    }) : () -> ()
    %scan3A = arith.constant 0 : i32
    %scan3A_291 = arith.constant 0 : i32
    %scan3A_292 = arith.constant 80 : i32
    %scan3A_293 = arith.addi %scan3A_291, %scan3A_292 : i32
    %scan3A_294 = arith.constant 1 : i32
    scf.for %scan3A_300 = %scan3A_291 to %scan3A_293 step %scan3A_294  : i32 {
      "tpu.region"() ({
        %run_scoped3A = tpu.sem_alloc : memref<!tpu.dma_semaphore, #tpu.memory_space<semaphore_mem>>
        %dma_start3A = arith.constant 0 : i32
        %dma_start3A_301 = tpu.memref_slice %arg4[%scan3A_300, %dma_start3A] : memref<80x128xi32, #tpu.memory_space<vmem>> -> memref<1x128xi32, #tpu.memory_space<vmem>>
        %dma_start3A_302 = tpu.memref_squeeze %dma_start3A_301 : memref<1x128xi32, #tpu.memory_space<vmem>> -> memref<128xi32, #tpu.memory_space<vmem>>
        %dma_start3A_303 = arith.constant 0 : i32
        %dma_start3A_304 = tpu.memref_slice %arg7[%dma_start3A_303] : memref<10112xf32, #tpu.memory_space<vmem_shared>> -> memref<10112xf32, #tpu.memory_space<vmem_shared>>
        tpu.enqueue_indirect_dma source(%arg5 : memref<128xf32, #tpu.memory_space<vmem>>) target(%dma_start3A_304 : memref<10112xf32, #tpu.memory_space<vmem_shared>>) offsets(%dma_start3A_302 : memref<128xi32, #tpu.memory_space<vmem>>) semaphore(%run_scoped3A : memref<!tpu.dma_semaphore, #tpu.memory_space<semaphore_mem>>) {add = true}
        %dma_wait3A = arith.constant 0 : i32
        %dma_wait3A_305 = tpu.memref_slice %arg4[%scan3A_300, %dma_wait3A] : memref<80x128xi32, #tpu.memory_space<vmem>> -> memref<1x128xi32, #tpu.memory_space<vmem>>
        %dma_wait3A_306 = tpu.memref_squeeze %dma_wait3A_305 : memref<1x128xi32, #tpu.memory_space<vmem>> -> memref<128xi32, #tpu.memory_space<vmem>>
        %dma_wait3A_307 = arith.constant 0 : i32
        %dma_wait3A_308 = tpu.memref_slice %arg7[%dma_wait3A_307] : memref<10112xf32, #tpu.memory_space<vmem_shared>> -> memref<10112xf32, #tpu.memory_space<vmem_shared>>
        tpu.wait_indirect_dma semaphore(%run_scoped3A : memref<!tpu.dma_semaphore, #tpu.memory_space<semaphore_mem>>) src(%arg5 : memref<128xf32, #tpu.memory_space<vmem>>) dst(%dma_wait3A_308 : memref<10112xf32, #tpu.memory_space<vmem_shared>>)
        tpu.yield
      }) : () -> ()
    }
    %scan3A_295 = arith.constant 80 : i32
    %barrier3A_296 = arith.constant 0 : index
    tpu.barrier barrier_id(%barrier3A_296)
    "tpu.region"() ({
      %run_scoped3A = tpu.sem_alloc : memref<!tpu.dma_semaphore, #tpu.memory_space<semaphore_mem>>
      %dma_start3A = tpu.memref_slice %arg7[%mul3A_2] : memref<10112xf32, #tpu.memory_space<vmem_shared>> -> memref<632xf32, #tpu.memory_space<vmem_shared>>
      %dma_start3A_300 = tpu.memref_slice %arg7[%mul3A_2] : memref<10112xf32, #tpu.memory_space<vmem_shared>> -> memref<632xf32, #tpu.memory_space<vmem_shared>>
      tpu.enqueue_dma source(%dma_start3A_300 : memref<632xf32, #tpu.memory_space<vmem_shared>>) target(%arg6 : memref<632xf32, #tpu.memory_space<vmem>>) target_semaphore(%run_scoped3A : memref<!tpu.dma_semaphore, #tpu.memory_space<semaphore_mem>>)
      %dma_wait3A = tpu.memref_slice %arg7[%mul3A_2] : memref<10112xf32, #tpu.memory_space<vmem_shared>> -> memref<632xf32, #tpu.memory_space<vmem_shared>>
      %dma_wait3A_301 = tpu.memref_slice %arg7[%mul3A_2] : memref<10112xf32, #tpu.memory_space<vmem_shared>> -> memref<632xf32, #tpu.memory_space<vmem_shared>>
      tpu.wait_dma2 semaphore(%run_scoped3A : memref<!tpu.dma_semaphore, #tpu.memory_space<semaphore_mem>>) src(%dma_wait3A_301 : memref<632xf32, #tpu.memory_space<vmem_shared>>) dst(%arg6 : memref<632xf32, #tpu.memory_space<vmem>>)
      tpu.yield
    }) : () -> ()
    %mul3A_297 = arith.constant 10112 : i32
    %mul3A_298 = arith.muli %arg0, %mul3A_297 : i32
    %add3A_299 = arith.addi %mul3A_298, %mul3A_2 : i32
    "tpu.region"() ({
      %run_scoped3A = tpu.sem_alloc : memref<!tpu.dma_semaphore, #tpu.memory_space<semaphore_mem>>
      %dma_start3A = tpu.memref_slice %arg3[%add3A_299] : memref<20224xf32, #tpu.memory_space<hbm>> -> memref<632xf32, #tpu.memory_space<hbm>>
      %dma_start3A_300 = tpu.memref_slice %arg3[%add3A_299] : memref<20224xf32, #tpu.memory_space<hbm>> -> memref<632xf32, #tpu.memory_space<hbm>>
      tpu.enqueue_dma source(%arg6 : memref<632xf32, #tpu.memory_space<vmem>>) target(%dma_start3A_300 : memref<632xf32, #tpu.memory_space<hbm>>) target_semaphore(%run_scoped3A : memref<!tpu.dma_semaphore, #tpu.memory_space<semaphore_mem>>)
      %dma_wait3A = tpu.memref_slice %arg3[%add3A_299] : memref<20224xf32, #tpu.memory_space<hbm>> -> memref<632xf32, #tpu.memory_space<hbm>>
      %dma_wait3A_301 = tpu.memref_slice %arg3[%add3A_299] : memref<20224xf32, #tpu.memory_space<hbm>> -> memref<632xf32, #tpu.memory_space<hbm>>
      tpu.wait_dma2 semaphore(%run_scoped3A : memref<!tpu.dma_semaphore, #tpu.memory_space<semaphore_mem>>) src(%arg6 : memref<632xf32, #tpu.memory_space<vmem>>) dst(%dma_wait3A_301 : memref<632xf32, #tpu.memory_space<hbm>>)
      tpu.yield
    }) : () -> ()
    return
  }
}

</mosaic_0001>

<sc_bundles>
// kernel: _deg_call.3.cloned.1.call-start
scs
__scs_entry_jumppad:
0x0: {  	(pc) =	sbr.rel $0x88, $3  }
0x1: {  	(tag) =	ssettag $0x0;
	lr =	simm.s32 $0x1  }
0x2: {  	[smem:$0x3FA0] =	sst lr;
	_ =	strace $0xD0000000  }
0x3: {  	_ = 	snop  }
0x4: {  	_ = 	snop  }
0x5: {  	_ = 	snop  }
0x6: {  	_ = 	snop  }
0x7: {  	_ = 	snop  }
__scs_overlays_trampoline_lowered:
0x8: {  	[smem:$0x3FAF] =	sst s0  }
0x9: {  	[smem:$0x3FB0] =	sst s1  }
0xa: {  	[smem:$0x3FB1] =	sst s2  }
0xb: {  	[smem:$0x3FB2] =	sst s3  }
0xc: {  	[smem:$0x3FB3] =	sst s4  }
0xd: {  	[smem:$0x3FB4] =	sst s5  }
0xe: {  	[smem:$0x3FB5] =	sst s6  }
0xf: {  	[smem:$0x3FB6] =	sst s7  }
0x10: {  	[smem:$0x3FB7] =	sst s8  }
0x11: {  	[smem:$0x3FB8] =	sst s9;
	s0 =	simm.s32 @!p0 $0x0  }
0x12: {  	s1 =	sld [smem:$0x3F9E];
	s0 =	simm.s32 @p0 $0x1  }
0x13: {  	[smem:$0x3FB9] =	sst s0;
	s0 =	simm.s32 @!p1 $0x0  }
0x14: {  	s2 =	sld [smem:$0x3F9D];
	s0 =	simm.s32 @p1 $0x1  }
0x15: {  	[smem:$0x3FBA] =	sst s0;
	s0 =	simm.s32 @!p2 $0x0  }
0x16: {  	s3 =	sld [smem:$0x3FDB];
	s0 =	simm.s32 @p2 $0x1  }
0x17: {  	s4 =	simm.s32 $0x1BF5;
	[smem:$0x3FBC] =	sst s0  }
0x18: {  	s0 =	sld [smem:$0x3F9F];
	_ =	swait.ge [sflag:s4], $0x0  }
0x19: {  	s7 =	sld [smem:$0x3FA0]  }
0x1a: {  	s8 =	sadd.s32 $0xFFFFE003, lr  }
0x1b: {  	s9 =	sadd.s32 $0xFFFFFEF7, lr;
	s5 =	simm.s32 $0xFFFFFFFF;
	p2 =	slt.u32 s8, $0xFFFFF086  }
0x1c: {  	p1 =	slt.u32 s9, $0xF7A;
	s5 =	simm.s32 @!p2 $0x0  }
0x1d: {  	s5 =	simm.s32 @p1 $0x1;
	p0 =	seq.s32 s7, s2  }
0x1e: {  	s7 =	smul.u32 @!p0 $0xF7A, s2;
	p2 =	seq.s32 @!p0 s5, $0x0  }
0x1f: {  	s9 =	smul.u32 $0xF7A, s1;
	s8 =	simm.s32 @!p0 $0x1BF5;
	p2 =	por !p2, p0  }
0x20: {  	[sflag:s8] =	ssyncset.s32 @!p0 $0xFFFFF086;
	s6 =	sadd.s32 @!p0 s3, s7;
	s7 =	simm.s32 @!p0 $0x108  }
0x21: {  	s3 =	sadd.s32 s3, s9;
	s6 =	sadd.s32 @!p0 $0x88, s6;
	s7 =	simm.s32 @p2 $0x1082  }
0x22: {  	[simem:s7], [sflag:s8] =	dma.local @!p0 [hbm:s6], $0xF7A  }
0x23: {  	s9 =	sor.u32 $0xD0000000, s2;
	s6 =	simm.s32 $0x108;
	_ =	swait.ge @!p0 [sflag:s8], $0x0  }
0x24: {  	s3 =	sadd.s32 $0x88, s3;
	s6 =	simm.s32 @!p1 $0x1082;
	[sflag:s4] =	ssyncset.s32 $0xFFFFF086  }
0x25: {  	[simem:s6], [sflag:s4] =	dma.local [hbm:s3], $0xF7A  }
0x26: {  	[smem:$0x3FA0] =	sst s1;
	(tag) =	ssettag s2;
	_ =	strace s9  }
0x27: {  	s1 =	sld [smem:$0x3FB0]  }
0x28: {  	s2 =	sld [smem:$0x3FB1]  }
0x29: {  	s4 =	sld [smem:$0x3FB3]  }
0x2a: {  	p0 =	seq.s32 s5, $0x0;
	s5 =	sld [smem:$0x3FB4]  }
0x2b: {  	s6 =	sld [smem:$0x3FB5]  }
0x2c: {  	s7 =	sld [smem:$0x3FB6]  }
0x2d: {  	s3 =	simm.s32 $0x108;
	s8 =	sld [smem:$0x3FB7]  }
0x2e: {  	s3 =	simm.s32 @!p0 $0x1082;
	s9 =	sld [smem:$0x3FB8]  }
0x2f: {  	lr =	sadd.s32 s0, s3;
	s0 =	sld [smem:$0x3FAF]  }
0x30: {  	s3 =	sld [smem:$0x3FB2]  }
0x31: {  	[smem:$0x3FBB] =	sst s10  }
0x32: {  	s10 =	sld [smem:$0x3FB9];
	_ =	sdelay $0x3  }
0x33: {  	p0 =	seq.s32 s10, $0x1;
	s10 =	sld [smem:$0x3FBB];
	_ =	sdelay $0x3  }
0x34: {  	[smem:$0x3FBB] =	sst s10  }
0x35: {  	s10 =	sld [smem:$0x3FBA];
	_ =	sdelay $0x3  }
0x36: {  	p1 =	seq.s32 s10, $0x1;
	s10 =	sld [smem:$0x3FBB];
	_ =	sdelay $0x3  }
0x37: {  	[smem:$0x3FBB] =	sst s10  }
0x38: {  	s10 =	sld [smem:$0x3FBC]  }
0x39: {  	_ = 	snop;
	(pc) =	sbr.ind lr, $3  }
0x3a: {  	_ = 	snop  }
0x3b: {  	_ = 	snop  }
0x3c: {  	p2 =	seq.s32 s10, $0x1;
	s10 =	sld [smem:$0x3FBB]  }
0x3d: {  	_ =	shalt  }
0x3e: {  	_ =	shalt  }
0x3f: {  	_ =	shalt  }
0x40: {  	_ =	shalt  }
0x41: {  	_ =	shalt  }
0x42: {  	_ =	shalt  }
0x43: {  	_ =	shalt  }
0x44: {  	_ =	shalt  }
0x45: {  	_ =	shalt  }
0x46: {  	_ =	shalt  }
0x47: {  	_ =	shalt  }
0x48: {  	_ =	shalt  }
0x49: {  	_ =	shalt  }
0x4a: {  	_ =	shalt  }
0x4b: {  	_ =	shalt  }
0x4c: {  	_ =	shalt  }
0x4d: {  	_ =	shalt  }
0x4e: {  	_ =	shalt  }
0x4f: {  	_ =	shalt  }
0x50: {  	_ =	shalt  }
0x51: {  	_ =	shalt  }
0x52: {  	_ =	shalt  }
0x53: {  	_ =	shalt  }
0x54: {  	_ =	shalt  }
0x55: {  	_ =	shalt  }
0x56: {  	_ =	shalt  }
0x57: {  	_ =	shalt  }
0x58: {  	_ =	shalt  }
0x59: {  	_ =	shalt  }
0x5a: {  	_ =	shalt  }
0x5b: {  	_ =	shalt  }
0x5c: {  	_ =	shalt  }
0x5d: {  	_ =	shalt  }
0x5e: {  	_ =	shalt  }
0x5f: {  	_ =	shalt  }
0x60: {  	_ =	shalt  }
0x61: {  	_ =	shalt  }
0x62: {  	_ =	shalt  }
0x63: {  	_ =	shalt  }
0x64: {  	_ =	shalt  }
0x65: {  	_ =	shalt  }
0x66: {  	_ =	shalt  }
0x67: {  	_ =	shalt  }
0x68: {  	_ =	shalt  }
0x69: {  	_ =	shalt  }
0x6a: {  	_ =	shalt  }
0x6b: {  	_ =	shalt  }
0x6c: {  	_ =	shalt  }
0x6d: {  	_ =	shalt  }
0x6e: {  	_ =	shalt  }
0x6f: {  	_ =	shalt  }
0x70: {  	_ =	shalt  }
0x71: {  	_ =	shalt  }
0x72: {  	_ =	shalt  }
0x73: {  	_ =	shalt  }
0x74: {  	_ =	shalt  }
0x75: {  	_ =	shalt  }
0x76: {  	_ =	shalt  }
0x77: {  	_ =	shalt  }
0x78: {  	_ =	shalt  }
0x79: {  	_ =	shalt  }
0x7a: {  	_ =	shalt  }
0x7b: {  	_ =	shalt  }
0x7c: {  	_ =	shalt  }
0x7d: {  	_ =	shalt  }
0x7e: {  	_ =	shalt  }
0x7f: {  	_ =	shalt  }
0x80: {  	_ =	shalt  }
0x81: {  	_ =	shalt  }
0x82: {  	_ =	shalt  }
0x83: {  	_ =	shalt  }
0x84: {  	_ =	shalt  }
0x85: {  	_ =	shalt  }
0x86: {  	_ =	shalt  }
0x87: {  	_ =	shalt  }
.Lfunc_end0:
.L_simem_size_0:
called_computation_lowered:
.L_overlay_start_0:
0x88: {  	s2 =	sld [smem:$0x3FD9]  }
0x89: {  	s3 =	sld [smem:$0x3FFE];
	_ =	sdelay $0x1  }
0x8a: {  	s1 =	srdreg.scid  }
0x8b: {  	s0 =	sand.u32 $0x1, s1  }
0x8c: {  	s18 =	sshll.u32 s0, $0xA;
	s2 =	sadd.s32 s3, s2  }
0x8d: {  	s2 =	sadd.s32 s2, s18  }
0x8e: {  	[smem:$0x3FC7] =	sst s2  }
0x8f: {  	_ = 	snop  }
0x90: {  	s2 =	sld [smem:$0x3FC9]  }
0x91: {  	s19 =	sld [smem:$0x3FD0];
	(tm) =	ssettm $0x1  }
0x92: {  	s4 =	sld [smem:$0x3FFB];
	_ =	sdelay $0x3  }
0x93: {  	_ =	strace s4  }
0x94: {  	s4 =	sld [smem:$0x3FFC];
	_ =	sdelay $0x3  }
0x95: {  	_ =	strace s4  }
0x96: {  	s4 =	sld [smem:$0x3FFD];
	_ =	sdelay $0x3  }
0x97: {  	_ =	strace s4  }
0x98: {  	_ =	strace $0x8FFFFFFF  }
0x99: {  	s20 =	sld [smem:$0x3FDB];
	_ =	sdelay $0x1  }
0x9a: {  	s5 =	simm.s32 $_scs_section_size  }
0x9b: {  	s6 =	simm.s32 $_size__tile_overlayer_lowered;
	s7 =	simm.s32 $_tile_overlayer_lowered  }
0x9c: {  	s23 =	simm.s32 $0x1BFF;
	s22 =	sshll.u32 s7, $0x1;
	s4 =	sadd.s32 s5, s20  }
0x9d: {  	s8 =	simm.s32 $0x0;
	s21 =	sshll.u32 s6, $0x1;
	s6 =	sadd.s32 s22, s4  }
0x9e: {  	[timem:s8], [sflag:s23] =	dma.local [hbm:s6], s21  }
0x9f: {  	_ =	swait.ge [sflag:s23], s21  }
0xa0: {  	s5 =	ssub.s32 $0x0, s21;
	[sflag:s23] =	ssyncset.done $0x0  }
0xa1: {  	[sflag:s23] =	ssyncadd.s32 s5;
	_ =	sdelay $0x1  }
0xa2: {  	s24 =	simm.s32 $0x1B8B  }
0xa3: {  	_ =	swait.ge [sflag:s24], $0x1  }
0xa4: {  	[sflag:s24] =	ssyncset.done $0x0  }
0xa5: {  	s25 =	simm.s32 $0x1B8E;
	[sflag:s24] =	ssyncadd.s32 $0xFFFFFFFF  }
0xa6: {  	s26 =	simm.s32 $execute0_lowered;
	[smem:$0x3FD2] =	sst s25  }
0xa7: {  	s5 =	sshll.u32 s26, $0x1;
	_ =	strace $0x80000046;
	[dreg:$0x1] =	wrdreg $0xFFFFFFFF  }
0xa8: {  	s28 =	simm.s32 $_size_execute0_lowered;
	s4 =	sadd.s32 s4, s5;
	[dreg:$0x0] =	wrdreg $0x0  }
0xa9: {  	s5 =	sshll.u32 s28, $0x1;
	[dreg:$0x2] =	wrdreg s4  }
0xaa: {  	[dreg:$0x3] =	wrdreg s5  }
0xab: {  	[dreg:$0x4] =	wrdreg $0xC0  }
0xac: {  	_ =	task [dreg:s8], $0x5FFFF  }
0xad: {  	[dreg:$0x1] =	wrdreg $0xFFFFFFFF  }
0xae: {  	[dreg:$0x0] =	wrdreg $0x60  }
0xaf: {  	[dreg:$0x2] =	wrdreg s2  }
0xb0: {  	[dreg:$0x3] =	wrdreg s19  }
0xb1: {  	[dreg:$0x4] =	wrdreg $0x2B000  }
0xb2: {  	[dreg:$0x5] =	wrdreg $0x9  }
0xb3: {  	_ =	task.clear_ibuf [dreg:s8], $0x6FFFF;
	_ =	strace $0x90000046  }
0xb4: {  	s29 =	simm.s32 $0x9;
	_ =	strace $0x80000048  }
0xb5: {  	_ =	swait.ge [sflag:s29], $0x1  }
0xb6: {  	[sflag:s29] =	ssyncadd.s32 $0xFFFFFFFF  }
0xb7: {  	_ =	strace $0x90000048  }
0xb8: {  	_ =	sfence  }
0xb9: {  	s30 =	sld [smem:$0x0];
	_ =	sdelay $0x2  }
0xba: {  	s31 =	sshll.u32 s1, $0xD;
	s1 =	sshrl.u32 s1, $0x2  }
0xbb: {  	s3 =	sand.u32 $0x4000, s31;
	s1 =	sadd.s32 s1, s30  }
0xbc: {  	s0 =	sor.u32 s3, s0;
	s1 =	sshll.u32 s1, $0x11  }
0xbd: {  	s0 =	sor.u32 s1, s0  }
0xbe: {  	s0 =	sadd.s32 $0x8F2B, s0  }
0xbf: {  	[sflag:s0] =	ssyncadd.remote.s32 $0x1  }
0xc0: {  	_ =	sfence.sel $0xFFFF  }
0xc1: {  	[dreg:$0x0] =	wrdreg $0xFFFFFFFF;
	(pc) =	sbr.abs _section_cstart, $3  }
0xc2: {  	[dreg:$0x1] =	wrdreg $0xFFFFFFFF  }
0xc3: {  	_ =	task.clear_ibuf [dreg:s8], $0x2FFFF;
	_ =	strace $0x9FFFFFFF  }
0xc4: {  	(tm) =	ssettm $0x7FFFFFFF  }
0xc5: {  	_ =	shalt  }
tec
execute0_lowered:
.L_overlay_start_1:
0x0: {  	(tag) =	ssettag $0x1  }
0x1: {  	s5 =	rddreg [dreg:$0x0]  }
0x2: {  	s6 =	rddreg [dreg:$0x1]  }
0x3: {  	s2 =	rddreg [dreg:$0x2]  }
0x4: {  	s3 =	srdreg.scid;
	s1 =	stileid.u32  }
0x5: {  	s0 =	rddreg [dreg:$0x3];
	s12 =	simm.s32 $0x0;
	s4 =	sand.u32 $0x1, s3  }
0x6: {  	s7 =	smul.u32 $0x278, s1;
	s3 =	simm.s32 $0x0;
	s8 =	sshll.u32 s1, $0x1  }
0x7: {  	s9 =	smul.u32 $0x2780, s4;
	s10 =	ssub.s32 $0x2, s4;
	s4 =	sor.u32 s4, s8  }
0x8: {  	[smem:$0x7FF] =	sst s3;
	s30 =	sshrl.u32 s10, $0x1;
	s11 =	smul.u32 $0x500, s4  }
0x9: {  	_ =	strace $0x80000047;
	s4 =	sadd.s32 s7, s2;
	s31 =	sadd.s32 s7, s9  }
0xa: {  	s8 =	ssub.s32 s10, s30;
	s10 =	simm.s32 $0x80;
	s9 =	sshrl.u32 s31, $0x3  }
0xb: {  	s5 =	sadd.s32 s5, s11;
	s7 =	smax.u32 s8, $0x1;
	s8 =	simm.s32 $0x2880  }
0xc: {  	v0 =	vimm.f32 $0.0e+00;
	v1 =	vimm.f32 $1.000000000e+00;
	s11 =	simm.s32 $0x2800;
	s6 =	sadd.s32 s6, s9;
	s9 =	simm.s32 $0x1  }
.LBB2_1:
0xd: {  	[tilespmem:$0x2880] =	vst v0  }
0xe: {  	[tilespmem:$0x2890] =	vst v0  }
0xf: {  	[tilespmem:$0x28A0] =	vst v0  }
0x10: {  	[tilespmem:$0x28B0] =	vst v0  }
0x11: {  	[tilespmem:$0x28C0] =	vst v0  }
0x12: {  	[tilespmem:$0x28D0] =	vst v0  }
0x13: {  	[tilespmem:$0x28E0] =	vst v0  }
0x14: {  	[tilespmem:$0x28F0] =	vst v0  }
0x15: {  	[tilespmem:$0x2900] =	vst v0  }
0x16: {  	[tilespmem:$0x2910] =	vst v0  }
0x17: {  	[tilespmem:$0x2920] =	vst v0  }
0x18: {  	[tilespmem:$0x2930] =	vst v0  }
0x19: {  	[tilespmem:$0x2940] =	vst v0  }
0x1a: {  	[tilespmem:$0x2950] =	vst v0  }
0x1b: {  	[tilespmem:$0x2960] =	vst v0  }
0x1c: {  	[tilespmem:$0x2970] =	vst v0  }
0x1d: {  	[tilespmem:$0x2980] =	vst v0  }
0x1e: {  	[tilespmem:$0x2990] =	vst v0  }
0x1f: {  	[tilespmem:$0x29A0] =	vst v0  }
0x20: {  	[tilespmem:$0x29B0] =	vst v0  }
0x21: {  	[tilespmem:$0x29C0] =	vst v0  }
0x22: {  	[tilespmem:$0x29D0] =	vst v0  }
0x23: {  	[tilespmem:$0x29E0] =	vst v0  }
0x24: {  	[tilespmem:$0x29F0] =	vst v0  }
0x25: {  	[tilespmem:$0x2A00] =	vst v0  }
0x26: {  	[tilespmem:$0x2A10] =	vst v0  }
0x27: {  	[tilespmem:$0x2A20] =	vst v0  }
0x28: {  	[tilespmem:$0x2A30] =	vst v0  }
0x29: {  	[tilespmem:$0x2A40] =	vst v0  }
0x2a: {  	[tilespmem:$0x2A50] =	vst v0  }
0x2b: {  	[tilespmem:$0x2A60] =	vst v0  }
0x2c: {  	[tilespmem:$0x2A70] =	vst v0  }
0x2d: {  	[tilespmem:$0x2A80] =	vst v0  }
0x2e: {  	[tilespmem:$0x2A90] =	vst v0  }
0x2f: {  	[tilespmem:$0x2AA0] =	vst v0  }
0x30: {  	[tilespmem:$0x2AB0] =	vst v0  }
0x31: {  	[tilespmem:$0x2AC0] =	vst v0  }
0x32: {  	[tilespmem:$0x2AD0] =	vst v0  }
0x33: {  	[tilespmem:$0x2AE0] =	vst v0  }
0x34: {  	[tilespmem:$0x2800] =	vst v1  }
0x35: {  	[tilespmem:$0x2810] =	vst v1  }
0x36: {  	[tilespmem:$0x2820] =	vst v1  }
0x37: {  	[tilespmem:$0x2830] =	vst v1  }
0x38: {  	[tilespmem:$0x2840] =	vst v1  }
0x39: {  	[tilespmem:$0x2850] =	vst v1  }
0x3a: {  	[tilespmem:$0x2860] =	vst v1  }
0x3b: {  	[tilespmem:$0x2870] =	vst v1  }
0x3c: {  	[tilespmem:$0x2AE8] =	vst v0  }
0x3d: {  	[spmem:s4] =	stream.linear.scatter [tilespmem:s8], [sflag:$0x1], $0x278, $0x38;
	[tilespmem:$0x2D78] =	vst v63  }
0x3e: {  	_ =	swait.ge [sflag:s9], $0x278  }
0x3f: {  	[sflag:s9] =	ssyncset.done $0x0  }
0x40: {  	[sflag:s9] =	ssyncadd.s32 $0xFFFFFD88  }
0x41: {  	[bflag:$0x0] =	sbarrier.arrive $0xFFFF  }
0x42: {  	[tilespmem:s3], [sflag:$0x1] =	stream.linear.gather [hbm4b:s5+s3], $0x2800, $0x38;
	[tilespmem:$0x2D78] =	vst v63  }
0x43: {  	_ =	swait.ge [sflag:s9], $0x2800  }
0x44: {  	[sflag:s9] =	ssyncset.done $0x0  }
0x45: {  	s13 =	simm.s32 $0x0;
	[sflag:s9] =	ssyncadd.s32 $0xFFFFD800  }
0x46: {  	[spmem:s2] =	stream.indirect.scatter.add.f32 [tilespmem:s11], [sflag:$0x1], $0x1, s13, s10, $0xb8;
	[tilespmem:$0x2D78] =	vst v63  }
0x47: {  	_ =	swait.ge [sflag:s9], $0x80  }
0x48: {  	s13 =	simm.s32 $0x200;
	[sflag:s9] =	ssyncset.done $0x0  }
.LBB2_2:
0x49: {  	s14 =	sshra.s32 s13, $0x2;
	[sflag:s9] =	ssyncadd.s32 $0xFFFFFF80;
	p0 =	sne.s32 s13, $0x9E00  }
0x4a: {  	[spmem:s2] =	stream.indirect.scatter.add.f32 [tilespmem:s11], [sflag:$0x1], $0x1, s14, s10, $0xb8;
	[tilespmem:$0x2D78] =	vst v63  }
.Ltmp0:
0x4b: {  	_ = 	snop;
	(pc) =	sbr.rel @p0 .LBB2_2-.Ltmp0, $4  }
0x4c: {  	_ = 	snop  }
0x4d: {  	s13 =	sadd.s32 $0x200, s13  }
0x4e: {  	_ =	swait.ge [sflag:s9], $0x80  }
0x4f: {  	[sflag:s9] =	ssyncset.done $0x0  }
0x50: {  	[sflag:s9] =	ssyncadd.s32 $0xFFFFFF80  }
0x51: {  	[bflag:$0x0] =	sbarrier.arrive $0xFFFF  }
0x52: {  	[tilespmem:s8], [sflag:$0x1] =	stream.linear.gather [spmem:s4], $0x278, $0x38;
	[tilespmem:$0x2D78] =	vst v63  }
0x53: {  	s12 =	sadd.s32 $0x1, s12;
	_ =	swait.ge [sflag:s9], $0x278  }
0x54: {  	p0 =	sne.s32 s12, s7;
	[sflag:s9] =	ssyncset.done $0x0  }
.Ltmp1:
0x55: {  	[sflag:s9] =	ssyncadd.s32 $0xFFFFFD88;
	(pc) =	sbr.rel @p0 .LBB2_1-.Ltmp1, $4  }
0x56: {  	[hbm4b:s6+s3] =	stream.linear.scatter [tilespmem:s8], [sflag:$0x1], $0x278, $0x38;
	[tilespmem:$0x2D78] =	vst v63  }
0x57: {  	_ =	swait.ge [sflag:s9], $0x278  }
0x58: {  	[sflag:s9] =	ssyncset.done $0x0  }
0x59: {  	[sflag:s9] =	ssyncadd.s32 $0xFFFFFD88  }
0x5a: {  	_ =	sfence.sel $0x180000  }
0x5b: {  	[bflag:$0x0] =	sbarrier.arrive $0xFFFF  }
0x5c: {  	p0 =	sne.s32 s1, $0x0;
	_ =	strace $0x90000047  }
0x5d: {  	s0 =	sadd.s32 @!p0 $0x100000, s0;
	[bflag:$0x2] =	sbarrier.arrive $0xFFFF  }
0x5e: {  	[sflag:s0] =	ssyncadd.tile.s32 @!p0 $0x1;
	_ =	shalt  }
.Lfunc_end2:
_tile_overlayer_lowered:
.L_overlay_start_2:
0x5f: {  	(tag) =	ssettag $0x2  }
0x60: {  	s0 =	rddreg [dreg:$0x0];
	s2 =	stileid.u32  }
0x61: {  	s1 =	rddreg [dreg:$0x1];
	p0 =	sne.s32 s2, $0x0  }
0x62: {  	s3 =	rddreg [dreg:$0x2];
	[bflag:$0x3] =	sbarrier.arrive $0xFFFF;
	s2 =	simm.s32 @!p0 $0x1C01  }
0x63: {  	[timem:s3], [sflag:s2] =	dma.local @!p0 [hbm:s0], s1  }
0x64: {  	s0 =	simm.s32 @!p0 $0x1  }
0x65: {  	_ =	swait.ge @!p0 [sflag:s0], s1  }
0x66: {  	s1 =	ssub.s32 @!p0 $0x0, s1;
	[sflag:s0] =	ssyncset.done @!p0 $0x0  }
0x67: {  	[sflag:s0] =	ssyncadd.s32 @!p0 s1  }
0x68: {  	[bflag:$0x3] =	sbarrier.arrive $0xFFFF  }
0x69: {  	_ =	shalt  }

</sc_bundles>
